<compile_context>
chip_gen: v7x
topology: tpu7x:2x2x1
jax: 0.10.2.dev20260603
libtpu: 0.0.44.dev20260713+nightly
codegen_flags: <defaults>
</compile_context>

<pallas_src>
import functools

import jax
import jax.numpy as jnp
from jax import lax
from jax.experimental import pallas as pl
from jax.experimental.pallas import tpu as pltpu
from jax.experimental.pallas import tpu_sc as plsc

B, S, D = 4, 2048, 128
NC, NS, L = 2, 16, 16
NW = NC * NS
BPW = (B * S) // NW
NCH = 2
CH = BPW // NCH


def _emb_body(tok_hbm, emb_hbm, pos_hbm, out_hbm, idx_v, rows_v,
              p0, p1, g0, g1, ssem, isem):
    wid = lax.axis_index("s") * NC + lax.axis_index("c")
    base = wid * BPW
    pos_start = lax.rem(base, S)
    psems = (p0, p1)
    gsems = (g0, g1)

    icopy = pltpu.async_copy(tok_hbm.at[wid], idx_v, isem)
    pcopies = [
        pltpu.async_copy(
            pos_hbm.at[pl.ds(pos_start + j * CH, CH)],
            rows_v.at[pl.ds(j * CH, CH)],
            psems[j],
        )
        for j in range(NCH)
    ]
    icopy.wait()

    gadds = []
    for j in range(NCH):
        pcopies[j].wait()
        gadds.append(
            pltpu.async_copy(
                emb_hbm.at[idx_v.at[j]],
                rows_v.at[pl.ds(j * CH, CH)],
                gsems[j],
                add=True,
            )
        )
    stores = []
    for j in range(NCH):
        gadds[j].wait()
        stores.append(
            pltpu.async_copy(
                rows_v.at[pl.ds(j * CH, CH)],
                out_hbm.at[pl.ds(base + j * CH, CH)],
                ssem,
            )
        )
    for st in stores:
        st.wait()


@jax.jit
def _emb_call(tokens_flat, emb_table, pos_table):
    mesh = plsc.VectorSubcoreMesh(core_axis_name="c", subcore_axis_name="s")
    call = functools.partial(
        pl.kernel,
        mesh=mesh,
        out_type=jax.ShapeDtypeStruct((B * S, D), jnp.float32),
        scratch_types=[
            pltpu.VMEM((NCH, CH), jnp.int32),
            pltpu.VMEM((BPW, D), jnp.float32),
        ] + [pltpu.SemaphoreType.DMA] * 6,
    )(_emb_body)
    return call(tokens_flat, emb_table, pos_table)


def kernel(tokens, emb_table, pos_table):
    tokens_flat = tokens.astype(jnp.int32).reshape(NW, NCH, CH)
    out = _emb_call(tokens_flat, emb_table, pos_table)
    return out.reshape(B, S, D)

# --- scband reference (transcript-rebuilt; emitter-appended) ---
"""Pipeline reference for scband-gptpos-embedding-43224550868349 (READ-ONLY COPY).

The authoritative reference and input builder live on the scoring server;
editing this copy changes nothing except your own understanding.
"""

import jax, jax.numpy as jnp
import numpy as np

VOCAB_SIZE = 100000
CONTEXT_LEN = 2048
EMB_DIM = 128
BATCH = 4
SEQ_LEN = 2048


def setup_inputs(seed: int = 0) -> dict:
    key = jax.random.key(seed)
    k_tok, k_emb, k_pos = jax.random.split(key, 3)
    tokens = jax.random.randint(k_tok, (BATCH, SEQ_LEN), 0, VOCAB_SIZE, dtype=jnp.int64 if jax.config.jax_enable_x64 else jnp.int32)
    emb_table = jax.random.normal(k_emb, (VOCAB_SIZE, EMB_DIM), dtype=jnp.float32)
    pos_table = jax.random.normal(k_pos, (CONTEXT_LEN, EMB_DIM), dtype=jnp.float32)
    return {"tokens": tokens, "emb_table": emb_table, "pos_table": pos_table}


def reference(tokens, emb_table, pos_table):
    # tokens: (B, S) int; emb_table: (V, D); pos_table: (C, D)
    seq_len = tokens.shape[1]
    positions = jnp.arange(seq_len)
    tok_emb = jnp.take(emb_table, tokens, axis=0)        # (B, S, D) gather
    pos_emb = jnp.take(pos_table, positions, axis=0)     # (S, D) gather
    return tok_emb + pos_emb[None, :, :]

if __name__ == "__main__":
    import jax
    _d = setup_inputs()
    print(jax.jit(kernel)(*tuple(_d.values())))

</pallas_src>

<mosaic_0001>
#map = affine_map<(d0, d1) -> (0, 0, 0)>
#map1 = affine_map<(d0, d1) -> (0, 0)>
module attributes {stable_mosaic.version = 14 : i64} {
  func.func @_emb_body(%arg0: i32, %arg1: i32, %arg2: memref<32x2x128xi32, #tpu.memory_space<hbm>>, %arg3: memref<100000x128xf32, #tpu.memory_space<hbm>>, %arg4: memref<2048x128xf32, #tpu.memory_space<hbm>>, %arg5: memref<8192x128xf32, #tpu.memory_space<hbm>>, %arg6: memref<2x128xi32, #tpu.memory_space<vmem>>, %arg7: memref<256x128xf32, #tpu.memory_space<vmem>>, %arg8: memref<!tpu.dma_semaphore, #tpu.memory_space<semaphore_mem>>, %arg9: memref<!tpu.dma_semaphore, #tpu.memory_space<semaphore_mem>>, %arg10: memref<!tpu.dma_semaphore, #tpu.memory_space<semaphore_mem>>, %arg11: memref<!tpu.dma_semaphore, #tpu.memory_space<semaphore_mem>>, %arg12: memref<!tpu.dma_semaphore, #tpu.memory_space<semaphore_mem>>, %arg13: memref<!tpu.dma_semaphore, #tpu.memory_space<semaphore_mem>>) attributes {dimension_semantics = [#tpu.dimension_semantics<core_parallel>, #tpu.dimension_semantics<subcore_parallel>], iteration_bounds = array<i64: 2, 16>, scalar_prefetch = 0 : i64, scratch_operands = 8 : i64, tpu.core_type = #tpu.core_type<sc_vector_subcore>, window_params = [{transform_indices = #map}, {transform_indices = #map1}, {transform_indices = #map1}, {transform_indices = #map1}]} {
    %mul3A = arith.constant 2 : i32
    %mul3A_0 = arith.muli %arg1, %mul3A : i32
    %add3A = arith.addi %mul3A_0, %arg0 : i32
    %mul3A_1 = arith.constant 256 : i32
    %mul3A_2 = arith.muli %add3A, %mul3A_1 : i32
    %rem3A = arith.constant 2048 : i32
    %rem3A_3 = arith.remsi %mul3A_2, %rem3A : i32
    %dma_start3A = arith.constant 0 : i32
    %dma_start3A_4 = arith.constant 0 : i32
    %dma_start3A_5 = tpu.memref_slice %arg2[%add3A, %dma_start3A, %dma_start3A_4] : memref<32x2x128xi32, #tpu.memory_space<hbm>> -> memref<1x2x128xi32, #tpu.memory_space<hbm>>
    %dma_start3A_6 = tpu.memref_squeeze %dma_start3A_5 : memref<1x2x128xi32, #tpu.memory_space<hbm>> -> memref<2x128xi32, #tpu.memory_space<hbm>>
    %dma_start3A_7 = arith.constant 0 : i32
    %dma_start3A_8 = arith.constant 0 : i32
    %dma_start3A_9 = tpu.memref_slice %arg2[%add3A, %dma_start3A_7, %dma_start3A_8] : memref<32x2x128xi32, #tpu.memory_space<hbm>> -> memref<1x2x128xi32, #tpu.memory_space<hbm>>
    %dma_start3A_10 = tpu.memref_squeeze %dma_start3A_9 : memref<1x2x128xi32, #tpu.memory_space<hbm>> -> memref<2x128xi32, #tpu.memory_space<hbm>>
    tpu.enqueue_dma source(%dma_start3A_10 : memref<2x128xi32, #tpu.memory_space<hbm>>) target(%arg6 : memref<2x128xi32, #tpu.memory_space<vmem>>) target_semaphore(%arg13 : memref<!tpu.dma_semaphore, #tpu.memory_space<semaphore_mem>>)
    %add3A_11 = arith.constant 0 : i32
    %add3A_12 = arith.addi %rem3A_3, %add3A_11 : i32
    %dma_start3A_13 = arith.constant 0 : i32
    %dma_start3A_14 = arith.constant 0 : i32
    %dma_start3A_15 = tpu.memref_slice %arg7[%dma_start3A_13, %dma_start3A_14] : memref<256x128xf32, #tpu.memory_space<vmem>> -> memref<128x128xf32, #tpu.memory_space<vmem>>
    %dma_start3A_16 = arith.constant 0 : i32
    %dma_start3A_17 = tpu.memref_slice %arg4[%add3A_12, %dma_start3A_16] : memref<2048x128xf32, #tpu.memory_space<hbm>> -> memref<128x128xf32, #tpu.memory_space<hbm>>
    %dma_start3A_18 = arith.constant 0 : i32
    %dma_start3A_19 = arith.constant 0 : i32
    %dma_start3A_20 = tpu.memref_slice %arg7[%dma_start3A_18, %dma_start3A_19] : memref<256x128xf32, #tpu.memory_space<vmem>> -> memref<128x128xf32, #tpu.memory_space<vmem>>
    %dma_start3A_21 = arith.constant 0 : i32
    %dma_start3A_22 = tpu.memref_slice %arg4[%add3A_12, %dma_start3A_21] : memref<2048x128xf32, #tpu.memory_space<hbm>> -> memref<128x128xf32, #tpu.memory_space<hbm>>
    tpu.enqueue_dma source(%dma_start3A_22 : memref<128x128xf32, #tpu.memory_space<hbm>>) target(%dma_start3A_20 : memref<128x128xf32, #tpu.memory_space<vmem>>) target_semaphore(%arg8 : memref<!tpu.dma_semaphore, #tpu.memory_space<semaphore_mem>>)
    %add3A_23 = arith.constant 128 : i32
    %add3A_24 = arith.addi %rem3A_3, %add3A_23 : i32
    %dma_start3A_25 = arith.constant 128 : i32
    %dma_start3A_26 = arith.constant 0 : i32
    %dma_start3A_27 = tpu.memref_slice %arg7[%dma_start3A_25, %dma_start3A_26] : memref<256x128xf32, #tpu.memory_space<vmem>> -> memref<128x128xf32, #tpu.memory_space<vmem>>
    %dma_start3A_28 = arith.constant 0 : i32
    %dma_start3A_29 = tpu.memref_slice %arg4[%add3A_24, %dma_start3A_28] : memref<2048x128xf32, #tpu.memory_space<hbm>> -> memref<128x128xf32, #tpu.memory_space<hbm>>
    %dma_start3A_30 = arith.constant 128 : i32
    %dma_start3A_31 = arith.constant 0 : i32
    %dma_start3A_32 = tpu.memref_slice %arg7[%dma_start3A_30, %dma_start3A_31] : memref<256x128xf32, #tpu.memory_space<vmem>> -> memref<128x128xf32, #tpu.memory_space<vmem>>
    %dma_start3A_33 = arith.constant 0 : i32
    %dma_start3A_34 = tpu.memref_slice %arg4[%add3A_24, %dma_start3A_33] : memref<2048x128xf32, #tpu.memory_space<hbm>> -> memref<128x128xf32, #tpu.memory_space<hbm>>
    tpu.enqueue_dma source(%dma_start3A_34 : memref<128x128xf32, #tpu.memory_space<hbm>>) target(%dma_start3A_32 : memref<128x128xf32, #tpu.memory_space<vmem>>) target_semaphore(%arg9 : memref<!tpu.dma_semaphore, #tpu.memory_space<semaphore_mem>>)
    %dma_wait3A = arith.constant 0 : i32
    %dma_wait3A_35 = arith.constant 0 : i32
    %dma_wait3A_36 = tpu.memref_slice %arg2[%add3A, %dma_wait3A, %dma_wait3A_35] : memref<32x2x128xi32, #tpu.memory_space<hbm>> -> memref<1x2x128xi32, #tpu.memory_space<hbm>>
    %dma_wait3A_37 = tpu.memref_squeeze %dma_wait3A_36 : memref<1x2x128xi32, #tpu.memory_space<hbm>> -> memref<2x128xi32, #tpu.memory_space<hbm>>
    %dma_wait3A_38 = arith.constant 0 : i32
    %dma_wait3A_39 = arith.constant 0 : i32
    %dma_wait3A_40 = tpu.memref_slice %arg2[%add3A, %dma_wait3A_38, %dma_wait3A_39] : memref<32x2x128xi32, #tpu.memory_space<hbm>> -> memref<1x2x128xi32, #tpu.memory_space<hbm>>
    %dma_wait3A_41 = tpu.memref_squeeze %dma_wait3A_40 : memref<1x2x128xi32, #tpu.memory_space<hbm>> -> memref<2x128xi32, #tpu.memory_space<hbm>>
    tpu.wait_dma2 semaphore(%arg13 : memref<!tpu.dma_semaphore, #tpu.memory_space<semaphore_mem>>) src(%dma_wait3A_41 : memref<2x128xi32, #tpu.memory_space<hbm>>) dst(%arg6 : memref<2x128xi32, #tpu.memory_space<vmem>>)
    %dma_wait3A_42 = arith.constant 0 : i32
    %dma_wait3A_43 = arith.constant 0 : i32
    %dma_wait3A_44 = tpu.memref_slice %arg7[%dma_wait3A_42, %dma_wait3A_43] : memref<256x128xf32, #tpu.memory_space<vmem>> -> memref<128x128xf32, #tpu.memory_space<vmem>>
    %dma_wait3A_45 = arith.constant 0 : i32
    %dma_wait3A_46 = tpu.memref_slice %arg4[%add3A_12, %dma_wait3A_45] : memref<2048x128xf32, #tpu.memory_space<hbm>> -> memref<128x128xf32, #tpu.memory_space<hbm>>
    %dma_wait3A_47 = arith.constant 0 : i32
    %dma_wait3A_48 = arith.constant 0 : i32
    %dma_wait3A_49 = tpu.memref_slice %arg7[%dma_wait3A_47, %dma_wait3A_48] : memref<256x128xf32, #tpu.memory_space<vmem>> -> memref<128x128xf32, #tpu.memory_space<vmem>>
    %dma_wait3A_50 = arith.constant 0 : i32
    %dma_wait3A_51 = tpu.memref_slice %arg4[%add3A_12, %dma_wait3A_50] : memref<2048x128xf32, #tpu.memory_space<hbm>> -> memref<128x128xf32, #tpu.memory_space<hbm>>
    tpu.wait_dma2 semaphore(%arg8 : memref<!tpu.dma_semaphore, #tpu.memory_space<semaphore_mem>>) src(%dma_wait3A_51 : memref<128x128xf32, #tpu.memory_space<hbm>>) dst(%dma_wait3A_49 : memref<128x128xf32, #tpu.memory_space<vmem>>)
    %dma_start3A_52 = arith.constant 0 : i32
    %dma_start3A_53 = arith.constant 0 : i32
    %dma_start3A_54 = arith.constant 0 : i32
    %dma_start3A_55 = tpu.memref_slice %arg7[%dma_start3A_53, %dma_start3A_54] : memref<256x128xf32, #tpu.memory_space<vmem>> -> memref<128x128xf32, #tpu.memory_space<vmem>>
    %dma_start3A_56 = arith.constant 0 : i32
    %dma_start3A_57 = tpu.memref_slice %arg6[%dma_start3A_52, %dma_start3A_56] : memref<2x128xi32, #tpu.memory_space<vmem>> -> memref<1x128xi32, #tpu.memory_space<vmem>>
    %dma_start3A_58 = tpu.memref_squeeze %dma_start3A_57 : memref<1x128xi32, #tpu.memory_space<vmem>> -> memref<128xi32, #tpu.memory_space<vmem>>
    %dma_start3A_59 = arith.constant 0 : i32
    %dma_start3A_60 = arith.constant 0 : i32
    %dma_start3A_61 = tpu.memref_slice %arg3[%dma_start3A_59, %dma_start3A_60] : memref<100000x128xf32, #tpu.memory_space<hbm>> -> memref<100000x128xf32, #tpu.memory_space<hbm>>
    tpu.enqueue_indirect_dma source(%dma_start3A_61 : memref<100000x128xf32, #tpu.memory_space<hbm>>) target(%dma_start3A_55 : memref<128x128xf32, #tpu.memory_space<vmem>>) offsets(%dma_start3A_58 : memref<128xi32, #tpu.memory_space<vmem>>) semaphore(%arg10 : memref<!tpu.dma_semaphore, #tpu.memory_space<semaphore_mem>>) {add = true}
    %dma_wait3A_62 = arith.constant 128 : i32
    %dma_wait3A_63 = arith.constant 0 : i32
    %dma_wait3A_64 = tpu.memref_slice %arg7[%dma_wait3A_62, %dma_wait3A_63] : memref<256x128xf32, #tpu.memory_space<vmem>> -> memref<128x128xf32, #tpu.memory_space<vmem>>
    %dma_wait3A_65 = arith.constant 0 : i32
    %dma_wait3A_66 = tpu.memref_slice %arg4[%add3A_24, %dma_wait3A_65] : memref<2048x128xf32, #tpu.memory_space<hbm>> -> memref<128x128xf32, #tpu.memory_space<hbm>>
    %dma_wait3A_67 = arith.constant 128 : i32
    %dma_wait3A_68 = arith.constant 0 : i32
    %dma_wait3A_69 = tpu.memref_slice %arg7[%dma_wait3A_67, %dma_wait3A_68] : memref<256x128xf32, #tpu.memory_space<vmem>> -> memref<128x128xf32, #tpu.memory_space<vmem>>
    %dma_wait3A_70 = arith.constant 0 : i32
    %dma_wait3A_71 = tpu.memref_slice %arg4[%add3A_24, %dma_wait3A_70] : memref<2048x128xf32, #tpu.memory_space<hbm>> -> memref<128x128xf32, #tpu.memory_space<hbm>>
    tpu.wait_dma2 semaphore(%arg9 : memref<!tpu.dma_semaphore, #tpu.memory_space<semaphore_mem>>) src(%dma_wait3A_71 : memref<128x128xf32, #tpu.memory_space<hbm>>) dst(%dma_wait3A_69 : memref<128x128xf32, #tpu.memory_space<vmem>>)
    %dma_start3A_72 = arith.constant 1 : i32
    %dma_start3A_73 = arith.constant 128 : i32
    %dma_start3A_74 = arith.constant 0 : i32
    %dma_start3A_75 = tpu.memref_slice %arg7[%dma_start3A_73, %dma_start3A_74] : memref<256x128xf32, #tpu.memory_space<vmem>> -> memref<128x128xf32, #tpu.memory_space<vmem>>
    %dma_start3A_76 = arith.constant 0 : i32
    %dma_start3A_77 = tpu.memref_slice %arg6[%dma_start3A_72, %dma_start3A_76] : memref<2x128xi32, #tpu.memory_space<vmem>> -> memref<1x128xi32, #tpu.memory_space<vmem>>
    %dma_start3A_78 = tpu.memref_squeeze %dma_start3A_77 : memref<1x128xi32, #tpu.memory_space<vmem>> -> memref<128xi32, #tpu.memory_space<vmem>>
    %dma_start3A_79 = arith.constant 0 : i32
    %dma_start3A_80 = arith.constant 0 : i32
    %dma_start3A_81 = tpu.memref_slice %arg3[%dma_start3A_79, %dma_start3A_80] : memref<100000x128xf32, #tpu.memory_space<hbm>> -> memref<100000x128xf32, #tpu.memory_space<hbm>>
    tpu.enqueue_indirect_dma source(%dma_start3A_81 : memref<100000x128xf32, #tpu.memory_space<hbm>>) target(%dma_start3A_75 : memref<128x128xf32, #tpu.memory_space<vmem>>) offsets(%dma_start3A_78 : memref<128xi32, #tpu.memory_space<vmem>>) semaphore(%arg11 : memref<!tpu.dma_semaphore, #tpu.memory_space<semaphore_mem>>) {add = true}
    %dma_wait3A_82 = arith.constant 0 : i32
    %dma_wait3A_83 = arith.constant 0 : i32
    %dma_wait3A_84 = arith.constant 0 : i32
    %dma_wait3A_85 = tpu.memref_slice %arg7[%dma_wait3A_83, %dma_wait3A_84] : memref<256x128xf32, #tpu.memory_space<vmem>> -> memref<128x128xf32, #tpu.memory_space<vmem>>
    %dma_wait3A_86 = arith.constant 0 : i32
    %dma_wait3A_87 = tpu.memref_slice %arg6[%dma_wait3A_82, %dma_wait3A_86] : memref<2x128xi32, #tpu.memory_space<vmem>> -> memref<1x128xi32, #tpu.memory_space<vmem>>
    %dma_wait3A_88 = tpu.memref_squeeze %dma_wait3A_87 : memref<1x128xi32, #tpu.memory_space<vmem>> -> memref<128xi32, #tpu.memory_space<vmem>>
    %dma_wait3A_89 = arith.constant 0 : i32
    %dma_wait3A_90 = arith.constant 0 : i32
    %dma_wait3A_91 = tpu.memref_slice %arg3[%dma_wait3A_89, %dma_wait3A_90] : memref<100000x128xf32, #tpu.memory_space<hbm>> -> memref<100000x128xf32, #tpu.memory_space<hbm>>
    tpu.wait_indirect_dma semaphore(%arg10 : memref<!tpu.dma_semaphore, #tpu.memory_space<semaphore_mem>>) src(%dma_wait3A_91 : memref<100000x128xf32, #tpu.memory_space<hbm>>) dst(%dma_wait3A_85 : memref<128x128xf32, #tpu.memory_space<vmem>>)
    %add3A_92 = arith.constant 0 : i32
    %add3A_93 = arith.addi %mul3A_2, %add3A_92 : i32
    %dma_start3A_94 = arith.constant 0 : i32
    %dma_start3A_95 = arith.constant 0 : i32
    %dma_start3A_96 = tpu.memref_slice %arg7[%dma_start3A_94, %dma_start3A_95] : memref<256x128xf32, #tpu.memory_space<vmem>> -> memref<128x128xf32, #tpu.memory_space<vmem>>
    %dma_start3A_97 = arith.constant 0 : i32
    %dma_start3A_98 = tpu.memref_slice %arg5[%add3A_93, %dma_start3A_97] : memref<8192x128xf32, #tpu.memory_space<hbm>> -> memref<128x128xf32, #tpu.memory_space<hbm>>
    %dma_start3A_99 = arith.constant 0 : i32
    %dma_start3A_100 = tpu.memref_slice %arg5[%add3A_93, %dma_start3A_99] : memref<8192x128xf32, #tpu.memory_space<hbm>> -> memref<128x128xf32, #tpu.memory_space<hbm>>
    %dma_start3A_101 = arith.constant 0 : i32
    %dma_start3A_102 = arith.constant 0 : i32
    %dma_start3A_103 = tpu.memref_slice %arg7[%dma_start3A_101, %dma_start3A_102] : memref<256x128xf32, #tpu.memory_space<vmem>> -> memref<128x128xf32, #tpu.memory_space<vmem>>
    tpu.enqueue_dma source(%dma_start3A_103 : memref<128x128xf32, #tpu.memory_space<vmem>>) target(%dma_start3A_100 : memref<128x128xf32, #tpu.memory_space<hbm>>) target_semaphore(%arg12 : memref<!tpu.dma_semaphore, #tpu.memory_space<semaphore_mem>>)
    %dma_wait3A_104 = arith.constant 1 : i32
    %dma_wait3A_105 = arith.constant 128 : i32
    %dma_wait3A_106 = arith.constant 0 : i32
    %dma_wait3A_107 = tpu.memref_slice %arg7[%dma_wait3A_105, %dma_wait3A_106] : memref<256x128xf32, #tpu.memory_space<vmem>> -> memref<128x128xf32, #tpu.memory_space<vmem>>
    %dma_wait3A_108 = arith.constant 0 : i32
    %dma_wait3A_109 = tpu.memref_slice %arg6[%dma_wait3A_104, %dma_wait3A_108] : memref<2x128xi32, #tpu.memory_space<vmem>> -> memref<1x128xi32, #tpu.memory_space<vmem>>
    %dma_wait3A_110 = tpu.memref_squeeze %dma_wait3A_109 : memref<1x128xi32, #tpu.memory_space<vmem>> -> memref<128xi32, #tpu.memory_space<vmem>>
    %dma_wait3A_111 = arith.constant 0 : i32
    %dma_wait3A_112 = arith.constant 0 : i32
    %dma_wait3A_113 = tpu.memref_slice %arg3[%dma_wait3A_111, %dma_wait3A_112] : memref<100000x128xf32, #tpu.memory_space<hbm>> -> memref<100000x128xf32, #tpu.memory_space<hbm>>
    tpu.wait_indirect_dma semaphore(%arg11 : memref<!tpu.dma_semaphore, #tpu.memory_space<semaphore_mem>>) src(%dma_wait3A_113 : memref<100000x128xf32, #tpu.memory_space<hbm>>) dst(%dma_wait3A_107 : memref<128x128xf32, #tpu.memory_space<vmem>>)
    %add3A_114 = arith.constant 128 : i32
    %add3A_115 = arith.addi %mul3A_2, %add3A_114 : i32
    %dma_start3A_116 = arith.constant 128 : i32
    %dma_start3A_117 = arith.constant 0 : i32
    %dma_start3A_118 = tpu.memref_slice %arg7[%dma_start3A_116, %dma_start3A_117] : memref<256x128xf32, #tpu.memory_space<vmem>> -> memref<128x128xf32, #tpu.memory_space<vmem>>
    %dma_start3A_119 = arith.constant 0 : i32
    %dma_start3A_120 = tpu.memref_slice %arg5[%add3A_115, %dma_start3A_119] : memref<8192x128xf32, #tpu.memory_space<hbm>> -> memref<128x128xf32, #tpu.memory_space<hbm>>
    %dma_start3A_121 = arith.constant 0 : i32
    %dma_start3A_122 = tpu.memref_slice %arg5[%add3A_115, %dma_start3A_121] : memref<8192x128xf32, #tpu.memory_space<hbm>> -> memref<128x128xf32, #tpu.memory_space<hbm>>
    %dma_start3A_123 = arith.constant 128 : i32
    %dma_start3A_124 = arith.constant 0 : i32
    %dma_start3A_125 = tpu.memref_slice %arg7[%dma_start3A_123, %dma_start3A_124] : memref<256x128xf32, #tpu.memory_space<vmem>> -> memref<128x128xf32, #tpu.memory_space<vmem>>
    tpu.enqueue_dma source(%dma_start3A_125 : memref<128x128xf32, #tpu.memory_space<vmem>>) target(%dma_start3A_122 : memref<128x128xf32, #tpu.memory_space<hbm>>) target_semaphore(%arg12 : memref<!tpu.dma_semaphore, #tpu.memory_space<semaphore_mem>>)
    %dma_wait3A_126 = arith.constant 0 : i32
    %dma_wait3A_127 = arith.constant 0 : i32
    %dma_wait3A_128 = tpu.memref_slice %arg7[%dma_wait3A_126, %dma_wait3A_127] : memref<256x128xf32, #tpu.memory_space<vmem>> -> memref<128x128xf32, #tpu.memory_space<vmem>>
    %dma_wait3A_129 = arith.constant 0 : i32
    %dma_wait3A_130 = tpu.memref_slice %arg5[%add3A_93, %dma_wait3A_129] : memref<8192x128xf32, #tpu.memory_space<hbm>> -> memref<128x128xf32, #tpu.memory_space<hbm>>
    %dma_wait3A_131 = arith.constant 0 : i32
    %dma_wait3A_132 = tpu.memref_slice %arg5[%add3A_93, %dma_wait3A_131] : memref<8192x128xf32, #tpu.memory_space<hbm>> -> memref<128x128xf32, #tpu.memory_space<hbm>>
    %dma_wait3A_133 = arith.constant 0 : i32
    %dma_wait3A_134 = arith.constant 0 : i32
    %dma_wait3A_135 = tpu.memref_slice %arg7[%dma_wait3A_133, %dma_wait3A_134] : memref<256x128xf32, #tpu.memory_space<vmem>> -> memref<128x128xf32, #tpu.memory_space<vmem>>
    tpu.wait_dma2 semaphore(%arg12 : memref<!tpu.dma_semaphore, #tpu.memory_space<semaphore_mem>>) src(%dma_wait3A_135 : memref<128x128xf32, #tpu.memory_space<vmem>>) dst(%dma_wait3A_132 : memref<128x128xf32, #tpu.memory_space<hbm>>)
    %dma_wait3A_136 = arith.constant 128 : i32
    %dma_wait3A_137 = arith.constant 0 : i32
    %dma_wait3A_138 = tpu.memref_slice %arg7[%dma_wait3A_136, %dma_wait3A_137] : memref<256x128xf32, #tpu.memory_space<vmem>> -> memref<128x128xf32, #tpu.memory_space<vmem>>
    %dma_wait3A_139 = arith.constant 0 : i32
    %dma_wait3A_140 = tpu.memref_slice %arg5[%add3A_115, %dma_wait3A_139] : memref<8192x128xf32, #tpu.memory_space<hbm>> -> memref<128x128xf32, #tpu.memory_space<hbm>>
    %dma_wait3A_141 = arith.constant 0 : i32
    %dma_wait3A_142 = tpu.memref_slice %arg5[%add3A_115, %dma_wait3A_141] : memref<8192x128xf32, #tpu.memory_space<hbm>> -> memref<128x128xf32, #tpu.memory_space<hbm>>
    %dma_wait3A_143 = arith.constant 128 : i32
    %dma_wait3A_144 = arith.constant 0 : i32
    %dma_wait3A_145 = tpu.memref_slice %arg7[%dma_wait3A_143, %dma_wait3A_144] : memref<256x128xf32, #tpu.memory_space<vmem>> -> memref<128x128xf32, #tpu.memory_space<vmem>>
    tpu.wait_dma2 semaphore(%arg12 : memref<!tpu.dma_semaphore, #tpu.memory_space<semaphore_mem>>) src(%dma_wait3A_145 : memref<128x128xf32, #tpu.memory_space<vmem>>) dst(%dma_wait3A_142 : memref<128x128xf32, #tpu.memory_space<hbm>>)
    return
  }
}

</mosaic_0001>

<sc_bundles>
// kernel: _emb_call.3.cloned.1.call-start
scs
__scs_entry_jumppad:
0x0: {  	(pc) =	sbr.rel $0x88, $3  }
0x1: {  	(tag) =	ssettag $0x0;
	lr =	simm.s32 $0x1  }
0x2: {  	[smem:$0x3F9E] =	sst lr;
	_ =	strace $0xD0000000  }
0x3: {  	_ = 	snop  }
0x4: {  	_ = 	snop  }
0x5: {  	_ = 	snop  }
0x6: {  	_ = 	snop  }
0x7: {  	_ = 	snop  }
__scs_overlays_trampoline_lowered:
0x8: {  	[smem:$0x3FAD] =	sst s0  }
0x9: {  	[smem:$0x3FAE] =	sst s1  }
0xa: {  	[smem:$0x3FAF] =	sst s2  }
0xb: {  	[smem:$0x3FB0] =	sst s3  }
0xc: {  	[smem:$0x3FB1] =	sst s4  }
0xd: {  	[smem:$0x3FB2] =	sst s5  }
0xe: {  	[smem:$0x3FB3] =	sst s6  }
0xf: {  	[smem:$0x3FB4] =	sst s7  }
0x10: {  	[smem:$0x3FB5] =	sst s8  }
0x11: {  	[smem:$0x3FB6] =	sst s9;
	s0 =	simm.s32 @!p0 $0x0  }
0x12: {  	s1 =	sld [smem:$0x3F9C];
	s0 =	simm.s32 @p0 $0x1  }
0x13: {  	[smem:$0x3FB7] =	sst s0;
	s0 =	simm.s32 @!p1 $0x0  }
0x14: {  	s2 =	sld [smem:$0x3F9B];
	s0 =	simm.s32 @p1 $0x1  }
0x15: {  	[smem:$0x3FB8] =	sst s0;
	s0 =	simm.s32 @!p2 $0x0  }
0x16: {  	s3 =	sld [smem:$0x3FDB];
	s0 =	simm.s32 @p2 $0x1  }
0x17: {  	s4 =	simm.s32 $0x1BF5;
	[smem:$0x3FBA] =	sst s0  }
0x18: {  	s0 =	sld [smem:$0x3F9D];
	_ =	swait.ge [sflag:s4], $0x0  }
0x19: {  	s7 =	sld [smem:$0x3F9E]  }
0x1a: {  	s8 =	sadd.s32 $0xFFFFE003, lr  }
0x1b: {  	s9 =	sadd.s32 $0xFFFFFEF7, lr;
	s5 =	simm.s32 $0xFFFFFFFF;
	p2 =	slt.u32 s8, $0xFFFFF086  }
0x1c: {  	p1 =	slt.u32 s9, $0xF7A;
	s5 =	simm.s32 @!p2 $0x0  }
0x1d: {  	s5 =	simm.s32 @p1 $0x1;
	p0 =	seq.s32 s7, s2  }
0x1e: {  	s7 =	smul.u32 @!p0 $0xF7A, s2;
	p2 =	seq.s32 @!p0 s5, $0x0  }
0x1f: {  	s9 =	smul.u32 $0xF7A, s1;
	s8 =	simm.s32 @!p0 $0x1BF5;
	p2 =	por !p2, p0  }
0x20: {  	[sflag:s8] =	ssyncset.s32 @!p0 $0xFFFFF086;
	s6 =	sadd.s32 @!p0 s3, s7;
	s7 =	simm.s32 @!p0 $0x108  }
0x21: {  	s3 =	sadd.s32 s3, s9;
	s6 =	sadd.s32 @!p0 $0x88, s6;
	s7 =	simm.s32 @p2 $0x1082  }
0x22: {  	[simem:s7], [sflag:s8] =	dma.local @!p0 [hbm:s6], $0xF7A  }
0x23: {  	s9 =	sor.u32 $0xD0000000, s2;
	s6 =	simm.s32 $0x108;
	_ =	swait.ge @!p0 [sflag:s8], $0x0  }
0x24: {  	s3 =	sadd.s32 $0x88, s3;
	s6 =	simm.s32 @!p1 $0x1082;
	[sflag:s4] =	ssyncset.s32 $0xFFFFF086  }
0x25: {  	[simem:s6], [sflag:s4] =	dma.local [hbm:s3], $0xF7A  }
0x26: {  	[smem:$0x3F9E] =	sst s1;
	(tag) =	ssettag s2;
	_ =	strace s9  }
0x27: {  	s1 =	sld [smem:$0x3FAE]  }
0x28: {  	s2 =	sld [smem:$0x3FAF]  }
0x29: {  	s4 =	sld [smem:$0x3FB1]  }
0x2a: {  	p0 =	seq.s32 s5, $0x0;
	s5 =	sld [smem:$0x3FB2]  }
0x2b: {  	s6 =	sld [smem:$0x3FB3]  }
0x2c: {  	s7 =	sld [smem:$0x3FB4]  }
0x2d: {  	s3 =	simm.s32 $0x108;
	s8 =	sld [smem:$0x3FB5]  }
0x2e: {  	s3 =	simm.s32 @!p0 $0x1082;
	s9 =	sld [smem:$0x3FB6]  }
0x2f: {  	lr =	sadd.s32 s0, s3;
	s0 =	sld [smem:$0x3FAD]  }
0x30: {  	s3 =	sld [smem:$0x3FB0]  }
0x31: {  	[smem:$0x3FB9] =	sst s10  }
0x32: {  	s10 =	sld [smem:$0x3FB7];
	_ =	sdelay $0x3  }
0x33: {  	p0 =	seq.s32 s10, $0x1;
	s10 =	sld [smem:$0x3FB9];
	_ =	sdelay $0x3  }
0x34: {  	[smem:$0x3FB9] =	sst s10  }
0x35: {  	s10 =	sld [smem:$0x3FB8];
	_ =	sdelay $0x3  }
0x36: {  	p1 =	seq.s32 s10, $0x1;
	s10 =	sld [smem:$0x3FB9];
	_ =	sdelay $0x3  }
0x37: {  	[smem:$0x3FB9] =	sst s10  }
0x38: {  	s10 =	sld [smem:$0x3FBA]  }
0x39: {  	_ = 	snop;
	(pc) =	sbr.ind lr, $3  }
0x3a: {  	_ = 	snop  }
0x3b: {  	_ = 	snop  }
0x3c: {  	p2 =	seq.s32 s10, $0x1;
	s10 =	sld [smem:$0x3FB9]  }
0x3d: {  	_ =	shalt  }
0x3e: {  	_ =	shalt  }
0x3f: {  	_ =	shalt  }
0x40: {  	_ =	shalt  }
0x41: {  	_ =	shalt  }
0x42: {  	_ =	shalt  }
0x43: {  	_ =	shalt  }
0x44: {  	_ =	shalt  }
0x45: {  	_ =	shalt  }
0x46: {  	_ =	shalt  }
0x47: {  	_ =	shalt  }
0x48: {  	_ =	shalt  }
0x49: {  	_ =	shalt  }
0x4a: {  	_ =	shalt  }
0x4b: {  	_ =	shalt  }
0x4c: {  	_ =	shalt  }
0x4d: {  	_ =	shalt  }
0x4e: {  	_ =	shalt  }
0x4f: {  	_ =	shalt  }
0x50: {  	_ =	shalt  }
0x51: {  	_ =	shalt  }
0x52: {  	_ =	shalt  }
0x53: {  	_ =	shalt  }
0x54: {  	_ =	shalt  }
0x55: {  	_ =	shalt  }
0x56: {  	_ =	shalt  }
0x57: {  	_ =	shalt  }
0x58: {  	_ =	shalt  }
0x59: {  	_ =	shalt  }
0x5a: {  	_ =	shalt  }
0x5b: {  	_ =	shalt  }
0x5c: {  	_ =	shalt  }
0x5d: {  	_ =	shalt  }
0x5e: {  	_ =	shalt  }
0x5f: {  	_ =	shalt  }
0x60: {  	_ =	shalt  }
0x61: {  	_ =	shalt  }
0x62: {  	_ =	shalt  }
0x63: {  	_ =	shalt  }
0x64: {  	_ =	shalt  }
0x65: {  	_ =	shalt  }
0x66: {  	_ =	shalt  }
0x67: {  	_ =	shalt  }
0x68: {  	_ =	shalt  }
0x69: {  	_ =	shalt  }
0x6a: {  	_ =	shalt  }
0x6b: {  	_ =	shalt  }
0x6c: {  	_ =	shalt  }
0x6d: {  	_ =	shalt  }
0x6e: {  	_ =	shalt  }
0x6f: {  	_ =	shalt  }
0x70: {  	_ =	shalt  }
0x71: {  	_ =	shalt  }
0x72: {  	_ =	shalt  }
0x73: {  	_ =	shalt  }
0x74: {  	_ =	shalt  }
0x75: {  	_ =	shalt  }
0x76: {  	_ =	shalt  }
0x77: {  	_ =	shalt  }
0x78: {  	_ =	shalt  }
0x79: {  	_ =	shalt  }
0x7a: {  	_ =	shalt  }
0x7b: {  	_ =	shalt  }
0x7c: {  	_ =	shalt  }
0x7d: {  	_ =	shalt  }
0x7e: {  	_ =	shalt  }
0x7f: {  	_ =	shalt  }
0x80: {  	_ =	shalt  }
0x81: {  	_ =	shalt  }
0x82: {  	_ =	shalt  }
0x83: {  	_ =	shalt  }
0x84: {  	_ =	shalt  }
0x85: {  	_ =	shalt  }
0x86: {  	_ =	shalt  }
0x87: {  	_ =	shalt  }
.Lfunc_end0:
.L_simem_size_0:
called_computation_lowered:
.L_overlay_start_0:
0x88: {  	s2 =	sld [smem:$0x3FD9]  }
0x89: {  	s3 =	sld [smem:$0x3FFE];
	_ =	sdelay $0x1  }
0x8a: {  	s1 =	srdreg.scid  }
0x8b: {  	s0 =	sand.u32 $0x1, s1  }
0x8c: {  	s18 =	sshll.u32 s0, $0xA;
	s2 =	sadd.s32 s3, s2  }
0x8d: {  	s2 =	sadd.s32 s2, s18  }
0x8e: {  	[smem:$0x3FC5] =	sst s2  }
0x8f: {  	_ = 	snop  }
0x90: {  	s2 =	sld [smem:$0x3FC9]  }
0x91: {  	s19 =	sld [smem:$0x3FC8]  }
0x92: {  	s4 =	sld [smem:$0x3FC7]  }
0x93: {  	s5 =	sld [smem:$0x3FD0];
	(tm) =	ssettm $0x1  }
0x94: {  	s6 =	sld [smem:$0x3FFB];
	_ =	sdelay $0x3  }
0x95: {  	_ =	strace s6  }
0x96: {  	s6 =	sld [smem:$0x3FFC];
	_ =	sdelay $0x3  }
0x97: {  	_ =	strace s6  }
0x98: {  	s6 =	sld [smem:$0x3FFD];
	_ =	sdelay $0x3  }
0x99: {  	_ =	strace s6  }
0x9a: {  	_ =	strace $0x8FFFFFFF  }
0x9b: {  	s20 =	sld [smem:$0x3FDB];
	_ =	sdelay $0x1  }
0x9c: {  	s7 =	simm.s32 $_scs_section_size  }
0x9d: {  	s8 =	simm.s32 $_size__tile_overlayer_lowered;
	s9 =	simm.s32 $_tile_overlayer_lowered  }
0x9e: {  	s23 =	simm.s32 $0x1BFF;
	s22 =	sshll.u32 s9, $0x1;
	s6 =	sadd.s32 s7, s20  }
0x9f: {  	s10 =	simm.s32 $0x0;
	s21 =	sshll.u32 s8, $0x1;
	s8 =	sadd.s32 s22, s6  }
0xa0: {  	[timem:s10], [sflag:s23] =	dma.local [hbm:s8], s21  }
0xa1: {  	_ =	swait.ge [sflag:s23], s21  }
0xa2: {  	s7 =	ssub.s32 $0x0, s21;
	[sflag:s23] =	ssyncset.done $0x0  }
0xa3: {  	[sflag:s23] =	ssyncadd.s32 s7;
	_ =	sdelay $0x1  }
0xa4: {  	s24 =	simm.s32 $0x1B8B  }
0xa5: {  	_ =	swait.ge [sflag:s24], $0x1  }
0xa6: {  	[sflag:s24] =	ssyncset.done $0x0  }
0xa7: {  	s25 =	simm.s32 $0x1B8E;
	[sflag:s24] =	ssyncadd.s32 $0xFFFFFFFF  }
0xa8: {  	s26 =	simm.s32 $execute0_lowered;
	[smem:$0x3FD2] =	sst s25  }
0xa9: {  	s7 =	sshll.u32 s26, $0x1;
	_ =	strace $0x80000046;
	[dreg:$0x1] =	wrdreg $0xFFFFFFFF  }
0xaa: {  	s28 =	simm.s32 $_size_execute0_lowered;
	s6 =	sadd.s32 s6, s7;
	[dreg:$0x0] =	wrdreg $0x0  }
0xab: {  	s7 =	sshll.u32 s28, $0x1;
	[dreg:$0x2] =	wrdreg s6  }
0xac: {  	[dreg:$0x3] =	wrdreg s7  }
0xad: {  	[dreg:$0x4] =	wrdreg $0xC0  }
0xae: {  	_ =	task [dreg:s10], $0x5FFFF  }
0xaf: {  	[dreg:$0x1] =	wrdreg $0xFFFFFFFF  }
0xb0: {  	[dreg:$0x0] =	wrdreg $0x60  }
0xb1: {  	[dreg:$0x2] =	wrdreg s2  }
0xb2: {  	[dreg:$0x3] =	wrdreg s19  }
0xb3: {  	[dreg:$0x4] =	wrdreg s4  }
0xb4: {  	[dreg:$0x5] =	wrdreg s5  }
0xb5: {  	[dreg:$0x6] =	wrdreg $0x9  }
0xb6: {  	_ =	task.clear_ibuf [dreg:s10], $0x7FFFF;
	_ =	strace $0x90000046  }
0xb7: {  	s29 =	simm.s32 $0x9;
	_ =	strace $0x80000048  }
0xb8: {  	_ =	swait.ge [sflag:s29], $0x1  }
0xb9: {  	[sflag:s29] =	ssyncadd.s32 $0xFFFFFFFF  }
0xba: {  	_ =	strace $0x90000048  }
0xbb: {  	_ =	sfence  }
0xbc: {  	s30 =	sld [smem:$0x0];
	_ =	sdelay $0x2  }
0xbd: {  	s31 =	sshll.u32 s1, $0xD;
	s1 =	sshrl.u32 s1, $0x2  }
0xbe: {  	s3 =	sand.u32 $0x4000, s31;
	s1 =	sadd.s32 s1, s30  }
0xbf: {  	s0 =	sor.u32 s3, s0;
	s1 =	sshll.u32 s1, $0x11  }
0xc0: {  	s0 =	sor.u32 s1, s0  }
0xc1: {  	s0 =	sadd.s32 $0x8F2B, s0  }
0xc2: {  	[sflag:s0] =	ssyncadd.remote.s32 $0x1  }
0xc3: {  	_ =	sfence.sel $0xFFFF  }
0xc4: {  	[dreg:$0x0] =	wrdreg $0xFFFFFFFF;
	(pc) =	sbr.abs _section_cstart, $3  }
0xc5: {  	[dreg:$0x1] =	wrdreg $0xFFFFFFFF  }
0xc6: {  	_ =	task.clear_ibuf [dreg:s10], $0x2FFFF;
	_ =	strace $0x9FFFFFFF  }
0xc7: {  	(tm) =	ssettm $0x7FFFFFFF  }
tec
execute0_lowered:
.L_overlay_start_1:
0x0: {  	(tag) =	ssettag $0x1  }
0x1: {  	s4 =	rddreg [dreg:$0x0]  }
0x2: {  	s1 =	rddreg [dreg:$0x1];
	s2 =	srdreg.scid  }
0x3: {  	s5 =	rddreg [dreg:$0x2];
	s0 =	stileid.u32;
	s16 =	sand.u32 $0x1, s2  }
0x4: {  	s14 =	rddreg [dreg:$0x3];
	s6 =	sshll.u32 s0, $0x9;
	s7 =	sshll.u32 s16, $0x8  }
0x5: {  	s3 =	simm.s32 $0x0;
	s2 =	rddreg [dreg:$0x4];
	s6 =	sor.u32 s7, s6  }
0x6: {  	[smem:$0x7FF] =	sst s3;
	s7 =	sshrl.u32 s6, $0x3;
	s15 =	sshll.u32 s6, $0x4  }
0x7: {  	_ =	strace $0x80000047;
	s4 =	sadd.s32 s4, s7;
	s6 =	sand.u32 $0x7000, s15  }
0x8: {  	[tilespmem:s3], [sflag:$0x6] =	stream.linear.gather [hbm4b:s4+s3], $0x100, $0x38;
	[tilespmem:$0x8100] =	vst v63  }
0x9: {  	s5 =	sadd.s32 s5, s6;
	s6 =	simm.s32 $0x100  }
0xa: {  	[tilespmem:s6], [sflag:$0x1] =	stream.linear.gather [hbm4b:s5+s3], $0x4000, $0x38;
	[tilespmem:$0x8100] =	vst v63  }
0xb: {  	s8 =	simm.s32 $0x4100;
	s9 =	simm.s32 $0x6;
	s7 =	sadd.s32 $0x800, s5  }
0xc: {  	[tilespmem:s8], [sflag:$0x2] =	stream.linear.gather [hbm4b:s7+s3], $0x4000, $0x38;
	[tilespmem:$0x8100] =	vst v63  }
0xd: {  	_ =	swait.ge [sflag:s9], $0x100  }
0xe: {  	[sflag:s9] =	ssyncset.done $0x0  }
0xf: {  	s10 =	simm.s32 $0x1;
	[sflag:s9] =	ssyncadd.s32 $0xFFFFFF00  }
0x10: {  	_ =	swait.ge [sflag:s10], $0x4000  }
0x11: {  	[sflag:s10] =	ssyncset.done $0x0  }
0x12: {  	s11 =	simm.s32 $0x80;
	s12 =	simm.s32 $0x2;
	[sflag:s10] =	ssyncadd.s32 $0xFFFFC000  }
0x13: {  	[tilespmem:s6], [sflag:$0x3] =	stream.indirect.gather.add.f32 [hbm:s1], $0x80, s3, s11, $0xb8;
	[tilespmem:$0x8100] =	vst v63  }
0x14: {  	_ =	swait.ge [sflag:s12], $0x4000  }
0x15: {  	[sflag:s12] =	ssyncset.done $0x0  }
0x16: {  	s13 =	simm.s32 $0x3;
	[sflag:s12] =	ssyncadd.s32 $0xFFFFC000  }
0x17: {  	[tilespmem:s8], [sflag:$0x4] =	stream.indirect.gather.add.f32 [hbm:s1], $0x80, s11, s11, $0xb8;
	[tilespmem:$0x8100] =	vst v63  }
0x18: {  	s18 =	ssub.s32 $0x2, s16;
	_ =	swait.ge [sflag:s13], $0x4000  }
0x19: {  	s19 =	sshrl.u32 s18, $0x1;
	[sflag:s13] =	ssyncset.done $0x0  }
0x1a: {  	s14 =	sadd.s32 s14, s15;
	s15 =	simm.s32 $0x4;
	[sflag:s13] =	ssyncadd.s32 $0xFFFFC000  }
0x1b: {  	[hbm4b:s14+s3] =	stream.linear.scatter [tilespmem:s6], [sflag:$0x5], $0x4000, $0x38;
	[tilespmem:$0x8100] =	vst v63  }
0x1c: {  	s18 =	ssub.s32 s18, s19;
	_ =	swait.ge [sflag:s15], $0x4000  }
0x1d: {  	s16 =	simm.s32 $0x5;
	s18 =	smax.u32 s18, $0x1;
	[sflag:s15] =	ssyncset.done $0x0  }
0x1e: {  	s17 =	sadd.s32 $0x800, s14;
	p0 =	sne.s32 s18, $0x1;
	[sflag:s15] =	ssyncadd.s32 $0xFFFFC000  }
0x1f: {  	[hbm4b:s17+s3] =	stream.linear.scatter [tilespmem:s8], [sflag:$0x5], $0x4000, $0x38;
	[tilespmem:$0x8100] =	vst v63  }
.Ltmp0:
0x20: {  	_ =	swait.ge [sflag:s16], $0x4000;
	(pc) =	sbr.rel @!p0 .LBB2_2-.Ltmp0, $4  }
0x21: {  	[sflag:s16] =	ssyncset.done $0x0  }
0x22: {  	[sflag:s16] =	ssyncadd.s32 $0xFFFFC000  }
0x23: {  	_ =	swait.ge [sflag:s16], $0x4000  }
0x24: {  	s18 =	sadd.s32 $0xFFFFFFFF, s18;
	[sflag:s16] =	ssyncset.done $0x0  }
.LBB2_1:
0x25: {  	p0 =	sne.s32 s18, $0x1;
	s18 =	sadd.s32 $0xFFFFFFFF, s18;
	[sflag:s16] =	ssyncadd.s32 $0xFFFFC000  }
0x26: {  	[tilespmem:s3], [sflag:$0x6] =	stream.linear.gather [hbm4b:s4+s3], $0x100, $0x38;
	[tilespmem:$0x8100] =	vst v63  }
0x27: {  	_ = 	snop  }
0x28: {  	[tilespmem:s6], [sflag:$0x1] =	stream.linear.gather [hbm4b:s5+s3], $0x4000, $0x38;
	[tilespmem:$0x8100] =	vst v63  }
0x29: {  	_ = 	snop  }
0x2a: {  	[tilespmem:s8], [sflag:$0x2] =	stream.linear.gather [hbm4b:s7+s3], $0x4000, $0x38;
	[tilespmem:$0x8100] =	vst v63  }
0x2b: {  	_ =	swait.ge [sflag:s9], $0x100  }
0x2c: {  	[sflag:s9] =	ssyncset.done $0x0  }
0x2d: {  	[sflag:s9] =	ssyncadd.s32 $0xFFFFFF00  }
0x2e: {  	_ =	swait.ge [sflag:s10], $0x4000  }
0x2f: {  	[sflag:s10] =	ssyncset.done $0x0  }
0x30: {  	[sflag:s10] =	ssyncadd.s32 $0xFFFFC000  }
0x31: {  	[tilespmem:s6], [sflag:$0x3] =	stream.indirect.gather.add.f32 [hbm:s1], $0x80, s3, s11, $0xb8;
	[tilespmem:$0x8100] =	vst v63  }
0x32: {  	_ =	swait.ge [sflag:s12], $0x4000  }
0x33: {  	[sflag:s12] =	ssyncset.done $0x0  }
0x34: {  	[sflag:s12] =	ssyncadd.s32 $0xFFFFC000  }
0x35: {  	[tilespmem:s8], [sflag:$0x4] =	stream.indirect.gather.add.f32 [hbm:s1], $0x80, s11, s11, $0xb8;
	[tilespmem:$0x8100] =	vst v63  }
0x36: {  	_ =	swait.ge [sflag:s13], $0x4000  }
0x37: {  	[sflag:s13] =	ssyncset.done $0x0  }
0x38: {  	[sflag:s13] =	ssyncadd.s32 $0xFFFFC000  }
0x39: {  	[hbm4b:s14+s3] =	stream.linear.scatter [tilespmem:s6], [sflag:$0x5], $0x4000, $0x38;
	[tilespmem:$0x8100] =	vst v63  }
0x3a: {  	_ =	swait.ge [sflag:s15], $0x4000  }
0x3b: {  	[sflag:s15] =	ssyncset.done $0x0  }
0x3c: {  	[sflag:s15] =	ssyncadd.s32 $0xFFFFC000  }
0x3d: {  	[hbm4b:s17+s3] =	stream.linear.scatter [tilespmem:s8], [sflag:$0x5], $0x4000, $0x38;
	[tilespmem:$0x8100] =	vst v63  }
.Ltmp1:
0x3e: {  	_ =	swait.ge [sflag:s16], $0x4000;
	(pc) =	sbr.rel @p0 .LBB2_1-.Ltmp1, $4  }
0x3f: {  	[sflag:s16] =	ssyncset.done $0x0  }
0x40: {  	[sflag:s16] =	ssyncadd.s32 $0xFFFFC000  }
0x41: {  	_ =	swait.ge [sflag:s16], $0x4000  }
0x42: {  	[sflag:s16] =	ssyncset.done $0x0  }
.LBB2_2:
0x43: {  	[sflag:s16] =	ssyncadd.s32 $0xFFFFC000  }
0x44: {  	_ =	sfence.sel $0x180000  }
0x45: {  	[bflag:$0x0] =	sbarrier.arrive $0xFFFF  }
0x46: {  	p0 =	sne.s32 s0, $0x0;
	_ =	strace $0x90000047  }
0x47: {  	s0 =	sadd.s32 @!p0 $0x100000, s2;
	[bflag:$0x2] =	sbarrier.arrive $0xFFFF  }
0x48: {  	[sflag:s0] =	ssyncadd.tile.s32 @!p0 $0x1;
	_ =	shalt  }
.Lfunc_end2:
_tile_overlayer_lowered:
.L_overlay_start_2:
0x49: {  	(tag) =	ssettag $0x2  }
0x4a: {  	s0 =	rddreg [dreg:$0x0];
	s2 =	stileid.u32  }
0x4b: {  	s1 =	rddreg [dreg:$0x1];
	p0 =	sne.s32 s2, $0x0  }
0x4c: {  	s3 =	rddreg [dreg:$0x2];
	[bflag:$0x3] =	sbarrier.arrive $0xFFFF;
	s2 =	simm.s32 @!p0 $0x1C07  }
0x4d: {  	[timem:s3], [sflag:s2] =	dma.local @!p0 [hbm:s0], s1  }
0x4e: {  	s0 =	simm.s32 @!p0 $0x7  }
0x4f: {  	_ =	swait.ge @!p0 [sflag:s0], s1  }
0x50: {  	s1 =	ssub.s32 @!p0 $0x0, s1;
	[sflag:s0] =	ssyncset.done @!p0 $0x0  }
0x51: {  	[sflag:s0] =	ssyncadd.s32 @!p0 s1  }
0x52: {  	[bflag:$0x3] =	sbarrier.arrive $0xFFFF  }
0x53: {  	_ =	shalt  }

</sc_bundles>
